<compile_context>
chip_gen: v7x
topology: tpu7x:2x2x1
jax: 0.10.2.dev20260603
libtpu: 0.0.44.dev20260713+nightly
codegen_flags: <defaults>
</compile_context>

<pallas_src>
import functools

import jax
import jax.numpy as jnp
from jax import lax
from jax.experimental import pallas as pl
from jax.experimental.pallas import tpu as pltpu
from jax.experimental.pallas import tpu_sc as plsc

ROWS = 128
COLS = 32768
DROP = 512
KEEP = COLS - DROP

LANES = 16
NUM_CORES = 2
NUM_SUBCORES = 16
NW = NUM_CORES * NUM_SUBCORES
SC_ROW0 = ROWS - NW
CHUNK = KEEP // 2
NACC = 4
STEP = NACC * LANES

_mesh = plsc.VectorSubcoreMesh(
    core_axis_name="c", subcore_axis_name="s",
    num_cores=NUM_CORES, num_subcores=NUM_SUBCORES,
)


@functools.partial(
    pl.kernel,
    out_type=jax.ShapeDtypeStruct((NW, LANES), jnp.float32),
    mesh=_mesh,
    scratch_types=[
        pltpu.VMEM((CHUNK,), jnp.float32),
        pltpu.VMEM((CHUNK,), jnp.float32),
        pltpu.VMEM((LANES,), jnp.float32),
        pltpu.SemaphoreType.DMA,
        pltpu.SemaphoreType.DMA,
    ],
)
def _row_means_sc(tok_hbm, out_hbm, buf0, buf1, res_v, sem0, sem1):
    wid = lax.axis_index("s") * NUM_CORES + lax.axis_index("c")
    row = SC_ROW0 + wid
    bufs = (buf0, buf1)
    sems = (sem0, sem1)

    copies = [None, None]
    copies[0] = pltpu.async_copy(
        tok_hbm.at[row, pl.ds(DROP, CHUNK)], bufs[0], sems[0])
    copies[1] = pltpu.async_copy(
        tok_hbm.at[row, pl.ds(DROP + CHUNK, CHUNK)], bufs[1], sems[1])

    zero = jnp.zeros((LANES,), jnp.float32)
    total = zero
    for c in range(2):
        copies[c].wait()
        buf = bufs[c]

        @plsc.parallel_loop(0, CHUNK, STEP, carry=(zero,) * NACC)
        def accs(i, a):
            return tuple(
                a[u] + buf[pl.ds(i + u * LANES, LANES)] for u in range(NACC)
            )

        for u in range(NACC):
            total = total + accs[u]

    lane_ids = lax.iota(jnp.int32, LANES)
    for k in (1, 2, 4, 8):
        total = total + jnp.take(total, lane_ids ^ k)
    res_v[...] = total * (1.0 / KEEP)
    pltpu.sync_copy(res_v, out_hbm.at[wid])


NS = 2
RB = 24
PART = SC_ROW0 // NS
NSTEP = PART // RB


def _tc_body(*refs):
    ins = refs[:NS]
    outs = refs[NS:]
    cols = lax.broadcasted_iota(jnp.int32, (RB, COLS), 1)
    m = cols >= DROP
    for a, o in zip(ins, outs):
        x = jnp.where(m, a[...], 0.0)
        o[...] = jnp.sum(x, axis=1, keepdims=True) * (1.0 / KEEP)


def _mk_in(s):
    return pl.BlockSpec((RB, COLS), lambda i, s=s: (i + s * NSTEP, 0))


def _mk_out(s):
    return pl.BlockSpec((RB, 1), lambda i, s=s: (i + s * NSTEP, 0))


_tc_means = pl.pallas_call(
    _tc_body,
    grid=(NSTEP,),
    in_specs=[_mk_in(s) for s in range(NS)],
    out_specs=[_mk_out(s) for s in range(NS)],
    out_shape=[jax.ShapeDtypeStruct((SC_ROW0, 1), jnp.float32)] * NS,
    compiler_params=pltpu.CompilerParams(
        dimension_semantics=("parallel",),
    ),
)


def kernel(tokens):
    sc_block = _row_means_sc(tokens)
    tc_parts = _tc_means(*([tokens] * NS))
    rid = lax.broadcasted_iota(jnp.int32, (SC_ROW0, 1), 0)
    tc = tc_parts[0]
    for s in range(1, NS):
        tc = jnp.where(rid < s * PART, tc, tc_parts[s])
    return jnp.concatenate([tc, sc_block[:, :1]], axis=0)

# --- scband reference (transcript-rebuilt; emitter-appended) ---
"""Pipeline reference for scband-router-k-49890340111122 (READ-ONLY COPY).

The authoritative reference and input builder live on the scoring server;
editing this copy changes nothing except your own understanding.
"""

import jax, jax.numpy as jnp
import numpy as np

ALPHA = 0.5
K = 1024

def setup_inputs(seed: int = 0) -> dict:
    key = jax.random.key(seed)
    tokens = jax.random.normal(key, (128, 32768), dtype=jnp.float32)
    return {"tokens": tokens}

def reference(tokens):
    top_1_minus_alpha_k = int((1.0 - ALPHA) * K)  # 512
    # torch.topk(tokens, k, dim=1) -> values, indices. dim=1 is the last axis for 2D input.
    _vals, _indices = jax.lax.top_k(tokens, K)
    normally_dropped_tokens = tokens[:, top_1_minus_alpha_k:]
    avg_pooled = jnp.mean(normally_dropped_tokens, axis=1, keepdims=True)
    return avg_pooled

if __name__ == "__main__":
    import jax
    _d = setup_inputs()
    print(jax.jit(kernel)(*tuple(_d.values())))

</pallas_src>

<mosaic_0001>
#map = affine_map<(d0, d1) -> (0, 0)>
module attributes {stable_mosaic.version = 14 : i64} {
  func.func @_row_means_sc(%arg0: i32, %arg1: i32, %arg2: memref<128x32768xf32, #tpu.memory_space<hbm>>, %arg3: memref<32x16xf32, #tpu.memory_space<hbm>>, %arg4: memref<16128xf32, #tpu.memory_space<vmem>>, %arg5: memref<16128xf32, #tpu.memory_space<vmem>>, %arg6: memref<16xf32, #tpu.memory_space<vmem>>, %arg7: memref<!tpu.dma_semaphore, #tpu.memory_space<semaphore_mem>>, %arg8: memref<!tpu.dma_semaphore, #tpu.memory_space<semaphore_mem>>) attributes {dimension_semantics = [#tpu.dimension_semantics<core_parallel>, #tpu.dimension_semantics<subcore_parallel>], iteration_bounds = array<i64: 2, 16>, scalar_prefetch = 0 : i64, scratch_operands = 5 : i64, tpu.core_type = #tpu.core_type<sc_vector_subcore>, window_params = [{transform_indices = #map}, {transform_indices = #map}]} {
    %mul3A = arith.constant 2 : i32
    %mul3A_0 = arith.muli %arg1, %mul3A : i32
    %add3A = arith.addi %mul3A_0, %arg0 : i32
    %add3A_1 = arith.constant 96 : i32
    %add3A_2 = arith.addi %add3A_1, %add3A : i32
    %dma_start3A = arith.constant 512 : i32
    %dma_start3A_3 = tpu.memref_slice %arg2[%add3A_2, %dma_start3A] : memref<128x32768xf32, #tpu.memory_space<hbm>> -> memref<1x16128xf32, #tpu.memory_space<hbm>>
    %dma_start3A_4 = tpu.memref_squeeze %dma_start3A_3 : memref<1x16128xf32, #tpu.memory_space<hbm>> -> memref<16128xf32, #tpu.memory_space<hbm>>
    %dma_start3A_5 = arith.constant 512 : i32
    %dma_start3A_6 = tpu.memref_slice %arg2[%add3A_2, %dma_start3A_5] : memref<128x32768xf32, #tpu.memory_space<hbm>> -> memref<1x16128xf32, #tpu.memory_space<hbm>>
    %dma_start3A_7 = tpu.memref_squeeze %dma_start3A_6 : memref<1x16128xf32, #tpu.memory_space<hbm>> -> memref<16128xf32, #tpu.memory_space<hbm>>
    tpu.enqueue_dma source(%dma_start3A_7 : memref<16128xf32, #tpu.memory_space<hbm>>) target(%arg4 : memref<16128xf32, #tpu.memory_space<vmem>>) target_semaphore(%arg7 : memref<!tpu.dma_semaphore, #tpu.memory_space<semaphore_mem>>)
    %dma_start3A_8 = arith.constant 16640 : i32
    %dma_start3A_9 = tpu.memref_slice %arg2[%add3A_2, %dma_start3A_8] : memref<128x32768xf32, #tpu.memory_space<hbm>> -> memref<1x16128xf32, #tpu.memory_space<hbm>>
    %dma_start3A_10 = tpu.memref_squeeze %dma_start3A_9 : memref<1x16128xf32, #tpu.memory_space<hbm>> -> memref<16128xf32, #tpu.memory_space<hbm>>
    %dma_start3A_11 = arith.constant 16640 : i32
    %dma_start3A_12 = tpu.memref_slice %arg2[%add3A_2, %dma_start3A_11] : memref<128x32768xf32, #tpu.memory_space<hbm>> -> memref<1x16128xf32, #tpu.memory_space<hbm>>
    %dma_start3A_13 = tpu.memref_squeeze %dma_start3A_12 : memref<1x16128xf32, #tpu.memory_space<hbm>> -> memref<16128xf32, #tpu.memory_space<hbm>>
    tpu.enqueue_dma source(%dma_start3A_13 : memref<16128xf32, #tpu.memory_space<hbm>>) target(%arg5 : memref<16128xf32, #tpu.memory_space<vmem>>) target_semaphore(%arg8 : memref<!tpu.dma_semaphore, #tpu.memory_space<semaphore_mem>>)
    %broadcast_in_dim3A = arith.constant 0.000000e+00 : f32
    %broadcast_in_dim3A_14 = vector.broadcast %broadcast_in_dim3A : f32 to vector<16xf32>
    %dma_wait3A = arith.constant 512 : i32
    %dma_wait3A_15 = tpu.memref_slice %arg2[%add3A_2, %dma_wait3A] : memref<128x32768xf32, #tpu.memory_space<hbm>> -> memref<1x16128xf32, #tpu.memory_space<hbm>>
    %dma_wait3A_16 = tpu.memref_squeeze %dma_wait3A_15 : memref<1x16128xf32, #tpu.memory_space<hbm>> -> memref<16128xf32, #tpu.memory_space<hbm>>
    %dma_wait3A_17 = arith.constant 512 : i32
    %dma_wait3A_18 = tpu.memref_slice %arg2[%add3A_2, %dma_wait3A_17] : memref<128x32768xf32, #tpu.memory_space<hbm>> -> memref<1x16128xf32, #tpu.memory_space<hbm>>
    %dma_wait3A_19 = tpu.memref_squeeze %dma_wait3A_18 : memref<1x16128xf32, #tpu.memory_space<hbm>> -> memref<16128xf32, #tpu.memory_space<hbm>>
    tpu.wait_dma2 semaphore(%arg7 : memref<!tpu.dma_semaphore, #tpu.memory_space<semaphore_mem>>) src(%dma_wait3A_19 : memref<16128xf32, #tpu.memory_space<hbm>>) dst(%arg4 : memref<16128xf32, #tpu.memory_space<vmem>>)
    %parallel_loop3A = arith.constant 0 : i32
    %parallel_loop3A_20 = arith.constant 16128 : i32
    %parallel_loop3A_21 = arith.constant 64 : i32
    %parallel_loop3A_22:4 = scf.for %parallel_loop3A_99 = %parallel_loop3A to %parallel_loop3A_20 step %parallel_loop3A_21 iter_args(%parallel_loop3A_100 = %broadcast_in_dim3A_14, %parallel_loop3A_101 = %broadcast_in_dim3A_14, %parallel_loop3A_102 = %broadcast_in_dim3A_14, %parallel_loop3A_103 = %broadcast_in_dim3A_14) -> (vector<16xf32>, vector<16xf32>, vector<16xf32>, vector<16xf32>)  : i32 {
      %parallel_loop3A_104 = arith.constant 0 : i32
      %parallel_loop3A_105 = arith.addi %parallel_loop3A_99, %parallel_loop3A_104 : i32
      %parallel_loop3A_106 = arith.index_cast %parallel_loop3A_105 : i32 to index
      %parallel_loop3A_107 = tpu.vector_load %arg4[%parallel_loop3A_106] {strides = array<i32>} : memref<16128xf32, #tpu.memory_space<vmem>>, vector<16xf32>,
      %parallel_loop3A_108 = vector.shape_cast %parallel_loop3A_107 : vector<16xf32> to vector<16xf32>
      %parallel_loop3A_109 = arith.addf %parallel_loop3A_100, %parallel_loop3A_108 : vector<16xf32>
      %parallel_loop3A_110 = arith.constant 16 : i32
      %parallel_loop3A_111 = arith.addi %parallel_loop3A_99, %parallel_loop3A_110 : i32
      %parallel_loop3A_112 = arith.index_cast %parallel_loop3A_111 : i32 to index
      %parallel_loop3A_113 = tpu.vector_load %arg4[%parallel_loop3A_112] {strides = array<i32>} : memref<16128xf32, #tpu.memory_space<vmem>>, vector<16xf32>,
      %parallel_loop3A_114 = vector.shape_cast %parallel_loop3A_113 : vector<16xf32> to vector<16xf32>
      %parallel_loop3A_115 = arith.addf %parallel_loop3A_101, %parallel_loop3A_114 : vector<16xf32>
      %parallel_loop3A_116 = arith.constant 32 : i32
      %parallel_loop3A_117 = arith.addi %parallel_loop3A_99, %parallel_loop3A_116 : i32
      %parallel_loop3A_118 = arith.index_cast %parallel_loop3A_117 : i32 to index
      %parallel_loop3A_119 = tpu.vector_load %arg4[%parallel_loop3A_118] {strides = array<i32>} : memref<16128xf32, #tpu.memory_space<vmem>>, vector<16xf32>,
      %parallel_loop3A_120 = vector.shape_cast %parallel_loop3A_119 : vector<16xf32> to vector<16xf32>
      %parallel_loop3A_121 = arith.addf %parallel_loop3A_102, %parallel_loop3A_120 : vector<16xf32>
      %parallel_loop3A_122 = arith.constant 48 : i32
      %parallel_loop3A_123 = arith.addi %parallel_loop3A_99, %parallel_loop3A_122 : i32
      %parallel_loop3A_124 = arith.index_cast %parallel_loop3A_123 : i32 to index
      %parallel_loop3A_125 = tpu.vector_load %arg4[%parallel_loop3A_124] {strides = array<i32>} : memref<16128xf32, #tpu.memory_space<vmem>>, vector<16xf32>,
      %parallel_loop3A_126 = vector.shape_cast %parallel_loop3A_125 : vector<16xf32> to vector<16xf32>
      %parallel_loop3A_127 = arith.addf %parallel_loop3A_103, %parallel_loop3A_126 : vector<16xf32>
      scf.yield %parallel_loop3A_109, %parallel_loop3A_115, %parallel_loop3A_121, %parallel_loop3A_127 : vector<16xf32>, vector<16xf32>, vector<16xf32>, vector<16xf32>
    } {sc.loop_unroll_factor = 1 : i64, sc.parallel_access}
    %add3A_23 = arith.addf %broadcast_in_dim3A_14, %parallel_loop3A_22#0 : vector<16xf32>
    %add3A_24 = arith.addf %add3A_23, %parallel_loop3A_22#1 : vector<16xf32>
    %add3A_25 = arith.addf %add3A_24, %parallel_loop3A_22#2 : vector<16xf32>
    %add3A_26 = arith.addf %add3A_25, %parallel_loop3A_22#3 : vector<16xf32>
    %dma_wait3A_27 = arith.constant 16640 : i32
    %dma_wait3A_28 = tpu.memref_slice %arg2[%add3A_2, %dma_wait3A_27] : memref<128x32768xf32, #tpu.memory_space<hbm>> -> memref<1x16128xf32, #tpu.memory_space<hbm>>
    %dma_wait3A_29 = tpu.memref_squeeze %dma_wait3A_28 : memref<1x16128xf32, #tpu.memory_space<hbm>> -> memref<16128xf32, #tpu.memory_space<hbm>>
    %dma_wait3A_30 = arith.constant 16640 : i32
    %dma_wait3A_31 = tpu.memref_slice %arg2[%add3A_2, %dma_wait3A_30] : memref<128x32768xf32, #tpu.memory_space<hbm>> -> memref<1x16128xf32, #tpu.memory_space<hbm>>
    %dma_wait3A_32 = tpu.memref_squeeze %dma_wait3A_31 : memref<1x16128xf32, #tpu.memory_space<hbm>> -> memref<16128xf32, #tpu.memory_space<hbm>>
    tpu.wait_dma2 semaphore(%arg8 : memref<!tpu.dma_semaphore, #tpu.memory_space<semaphore_mem>>) src(%dma_wait3A_32 : memref<16128xf32, #tpu.memory_space<hbm>>) dst(%arg5 : memref<16128xf32, #tpu.memory_space<vmem>>)
    %parallel_loop3A_33 = arith.constant 0 : i32
    %parallel_loop3A_34 = arith.constant 16128 : i32
    %parallel_loop3A_35 = arith.constant 64 : i32
    %parallel_loop3A_36:4 = scf.for %parallel_loop3A_99 = %parallel_loop3A_33 to %parallel_loop3A_34 step %parallel_loop3A_35 iter_args(%parallel_loop3A_100 = %broadcast_in_dim3A_14, %parallel_loop3A_101 = %broadcast_in_dim3A_14, %parallel_loop3A_102 = %broadcast_in_dim3A_14, %parallel_loop3A_103 = %broadcast_in_dim3A_14) -> (vector<16xf32>, vector<16xf32>, vector<16xf32>, vector<16xf32>)  : i32 {
      %parallel_loop3A_104 = arith.constant 0 : i32
      %parallel_loop3A_105 = arith.addi %parallel_loop3A_99, %parallel_loop3A_104 : i32
      %parallel_loop3A_106 = arith.index_cast %parallel_loop3A_105 : i32 to index
      %parallel_loop3A_107 = tpu.vector_load %arg5[%parallel_loop3A_106] {strides = array<i32>} : memref<16128xf32, #tpu.memory_space<vmem>>, vector<16xf32>,
      %parallel_loop3A_108 = vector.shape_cast %parallel_loop3A_107 : vector<16xf32> to vector<16xf32>
      %parallel_loop3A_109 = arith.addf %parallel_loop3A_100, %parallel_loop3A_108 : vector<16xf32>
      %parallel_loop3A_110 = arith.constant 16 : i32
      %parallel_loop3A_111 = arith.addi %parallel_loop3A_99, %parallel_loop3A_110 : i32
      %parallel_loop3A_112 = arith.index_cast %parallel_loop3A_111 : i32 to index
      %parallel_loop3A_113 = tpu.vector_load %arg5[%parallel_loop3A_112] {strides = array<i32>} : memref<16128xf32, #tpu.memory_space<vmem>>, vector<16xf32>,
      %parallel_loop3A_114 = vector.shape_cast %parallel_loop3A_113 : vector<16xf32> to vector<16xf32>
      %parallel_loop3A_115 = arith.addf %parallel_loop3A_101, %parallel_loop3A_114 : vector<16xf32>
      %parallel_loop3A_116 = arith.constant 32 : i32
      %parallel_loop3A_117 = arith.addi %parallel_loop3A_99, %parallel_loop3A_116 : i32
      %parallel_loop3A_118 = arith.index_cast %parallel_loop3A_117 : i32 to index
      %parallel_loop3A_119 = tpu.vector_load %arg5[%parallel_loop3A_118] {strides = array<i32>} : memref<16128xf32, #tpu.memory_space<vmem>>, vector<16xf32>,
      %parallel_loop3A_120 = vector.shape_cast %parallel_loop3A_119 : vector<16xf32> to vector<16xf32>
      %parallel_loop3A_121 = arith.addf %parallel_loop3A_102, %parallel_loop3A_120 : vector<16xf32>
      %parallel_loop3A_122 = arith.constant 48 : i32
      %parallel_loop3A_123 = arith.addi %parallel_loop3A_99, %parallel_loop3A_122 : i32
      %parallel_loop3A_124 = arith.index_cast %parallel_loop3A_123 : i32 to index
      %parallel_loop3A_125 = tpu.vector_load %arg5[%parallel_loop3A_124] {strides = array<i32>} : memref<16128xf32, #tpu.memory_space<vmem>>, vector<16xf32>,
      %parallel_loop3A_126 = vector.shape_cast %parallel_loop3A_125 : vector<16xf32> to vector<16xf32>
      %parallel_loop3A_127 = arith.addf %parallel_loop3A_103, %parallel_loop3A_126 : vector<16xf32>
      scf.yield %parallel_loop3A_109, %parallel_loop3A_115, %parallel_loop3A_121, %parallel_loop3A_127 : vector<16xf32>, vector<16xf32>, vector<16xf32>, vector<16xf32>
    } {sc.loop_unroll_factor = 1 : i64, sc.parallel_access}
    %add3A_37 = arith.addf %add3A_26, %parallel_loop3A_36#0 : vector<16xf32>
    %add3A_38 = arith.addf %add3A_37, %parallel_loop3A_36#1 : vector<16xf32>
    %add3A_39 = arith.addf %add3A_38, %parallel_loop3A_36#2 : vector<16xf32>
    %add3A_40 = arith.addf %add3A_39, %parallel_loop3A_36#3 : vector<16xf32>
    %iota3A = tpu.iota {dimensions = array<i32: 0>} : vector<16xi32>
    %xor3A = arith.constant 1 : i32
    %xor3A_41 = vector.broadcast %xor3A : i32 to vector<16xi32>
    %xor3A_42 = arith.xori %iota3A, %xor3A_41 : vector<16xi32>
    %lt3A = arith.constant 0 : i32
    %lt3A_43 = vector.broadcast %lt3A : i32 to vector<16xi32>
    %lt3A_44 = arith.cmpi slt, %xor3A_42, %lt3A_43 : vector<16xi32>
    %add3A_45 = arith.constant 16 : i32
    %add3A_46 = vector.broadcast %add3A_45 : i32 to vector<16xi32>
    %add3A_47 = arith.addi %xor3A_42, %add3A_46 : vector<16xi32>
    %select_n3A = arith.select %lt3A_44, %add3A_47, %xor3A_42 : vector<16xi1>, vector<16xi32>
    %broadcast_in_dim3A_48 = vector.shape_cast %select_n3A : vector<16xi32> to vector<16x1xi32>
    %gather3A = vector.shape_cast %broadcast_in_dim3A_48 : vector<16x1xi32> to vector<16xi32>
    %gather3A_49 = tpu.dynamic_gather %add3A_40[%gather3A] in [0] : vector<16xf32>, vector<16xi32> -> vector<16xf32>
    %add3A_50 = arith.addf %add3A_40, %gather3A_49 : vector<16xf32>
    %xor3A_51 = arith.constant 2 : i32
    %xor3A_52 = vector.broadcast %xor3A_51 : i32 to vector<16xi32>
    %xor3A_53 = arith.xori %iota3A, %xor3A_52 : vector<16xi32>
    %lt3A_54 = arith.constant 0 : i32
    %lt3A_55 = vector.broadcast %lt3A_54 : i32 to vector<16xi32>
    %lt3A_56 = arith.cmpi slt, %xor3A_53, %lt3A_55 : vector<16xi32>
    %add3A_57 = arith.constant 16 : i32
    %add3A_58 = vector.broadcast %add3A_57 : i32 to vector<16xi32>
    %add3A_59 = arith.addi %xor3A_53, %add3A_58 : vector<16xi32>
    %select_n3A_60 = arith.select %lt3A_56, %add3A_59, %xor3A_53 : vector<16xi1>, vector<16xi32>
    %broadcast_in_dim3A_61 = vector.shape_cast %select_n3A_60 : vector<16xi32> to vector<16x1xi32>
    %gather3A_62 = vector.shape_cast %broadcast_in_dim3A_61 : vector<16x1xi32> to vector<16xi32>
    %gather3A_63 = tpu.dynamic_gather %add3A_50[%gather3A_62] in [0] : vector<16xf32>, vector<16xi32> -> vector<16xf32>
    %add3A_64 = arith.addf %add3A_50, %gather3A_63 : vector<16xf32>
    %xor3A_65 = arith.constant 4 : i32
    %xor3A_66 = vector.broadcast %xor3A_65 : i32 to vector<16xi32>
    %xor3A_67 = arith.xori %iota3A, %xor3A_66 : vector<16xi32>
    %lt3A_68 = arith.constant 0 : i32
    %lt3A_69 = vector.broadcast %lt3A_68 : i32 to vector<16xi32>
    %lt3A_70 = arith.cmpi slt, %xor3A_67, %lt3A_69 : vector<16xi32>
    %add3A_71 = arith.constant 16 : i32
    %add3A_72 = vector.broadcast %add3A_71 : i32 to vector<16xi32>
    %add3A_73 = arith.addi %xor3A_67, %add3A_72 : vector<16xi32>
    %select_n3A_74 = arith.select %lt3A_70, %add3A_73, %xor3A_67 : vector<16xi1>, vector<16xi32>
    %broadcast_in_dim3A_75 = vector.shape_cast %select_n3A_74 : vector<16xi32> to vector<16x1xi32>
    %gather3A_76 = vector.shape_cast %broadcast_in_dim3A_75 : vector<16x1xi32> to vector<16xi32>
    %gather3A_77 = tpu.dynamic_gather %add3A_64[%gather3A_76] in [0] : vector<16xf32>, vector<16xi32> -> vector<16xf32>
    %add3A_78 = arith.addf %add3A_64, %gather3A_77 : vector<16xf32>
    %xor3A_79 = arith.constant 8 : i32
    %xor3A_80 = vector.broadcast %xor3A_79 : i32 to vector<16xi32>
    %xor3A_81 = arith.xori %iota3A, %xor3A_80 : vector<16xi32>
    %lt3A_82 = arith.constant 0 : i32
    %lt3A_83 = vector.broadcast %lt3A_82 : i32 to vector<16xi32>
    %lt3A_84 = arith.cmpi slt, %xor3A_81, %lt3A_83 : vector<16xi32>
    %add3A_85 = arith.constant 16 : i32
    %add3A_86 = vector.broadcast %add3A_85 : i32 to vector<16xi32>
    %add3A_87 = arith.addi %xor3A_81, %add3A_86 : vector<16xi32>
    %select_n3A_88 = arith.select %lt3A_84, %add3A_87, %xor3A_81 : vector<16xi1>, vector<16xi32>
    %broadcast_in_dim3A_89 = vector.shape_cast %select_n3A_88 : vector<16xi32> to vector<16x1xi32>
    %gather3A_90 = vector.shape_cast %broadcast_in_dim3A_89 : vector<16x1xi32> to vector<16xi32>
    %gather3A_91 = tpu.dynamic_gather %add3A_78[%gather3A_90] in [0] : vector<16xf32>, vector<16xi32> -> vector<16xf32>
    %add3A_92 = arith.addf %add3A_78, %gather3A_91 : vector<16xf32>
    %mul3A_93 = arith.constant 3.10019859E-5 : f32
    %mul3A_94 = vector.broadcast %mul3A_93 : f32 to vector<16xf32>
    %mul3A_95 = arith.mulf %add3A_92, %mul3A_94 : vector<16xf32>
    %swap3A = arith.constant 0 : index
    %swap3A_96 = tpu.vector_load %arg6[%swap3A] {strides = array<i32>} : memref<16xf32, #tpu.memory_space<vmem>>, vector<16xf32>,
    %swap3A_97 = vector.shape_cast %swap3A_96 : vector<16xf32> to vector<16xf32>
    %swap3A_98 = vector.shape_cast %mul3A_95 : vector<16xf32> to vector<16xf32>
    tpu.vector_store %arg6[%swap3A], %swap3A_98 {strides = array<i32>} : memref<16xf32, #tpu.memory_space<vmem>>, vector<16xf32>,
    "tpu.region"() ({
      %run_scoped3A = tpu.sem_alloc : memref<!tpu.dma_semaphore, #tpu.memory_space<semaphore_mem>>
      %dma_start3A_99 = arith.constant 0 : i32
      %dma_start3A_100 = tpu.memref_slice %arg3[%add3A, %dma_start3A_99] : memref<32x16xf32, #tpu.memory_space<hbm>> -> memref<1x16xf32, #tpu.memory_space<hbm>>
      %dma_start3A_101 = tpu.memref_squeeze %dma_start3A_100 : memref<1x16xf32, #tpu.memory_space<hbm>> -> memref<16xf32, #tpu.memory_space<hbm>>
      %dma_start3A_102 = arith.constant 0 : i32
      %dma_start3A_103 = tpu.memref_slice %arg3[%add3A, %dma_start3A_102] : memref<32x16xf32, #tpu.memory_space<hbm>> -> memref<1x16xf32, #tpu.memory_space<hbm>>
      %dma_start3A_104 = tpu.memref_squeeze %dma_start3A_103 : memref<1x16xf32, #tpu.memory_space<hbm>> -> memref<16xf32, #tpu.memory_space<hbm>>
      tpu.enqueue_dma source(%arg6 : memref<16xf32, #tpu.memory_space<vmem>>) target(%dma_start3A_104 : memref<16xf32, #tpu.memory_space<hbm>>) target_semaphore(%run_scoped3A : memref<!tpu.dma_semaphore, #tpu.memory_space<semaphore_mem>>)
      %dma_wait3A_105 = arith.constant 0 : i32
      %dma_wait3A_106 = tpu.memref_slice %arg3[%add3A, %dma_wait3A_105] : memref<32x16xf32, #tpu.memory_space<hbm>> -> memref<1x16xf32, #tpu.memory_space<hbm>>
      %dma_wait3A_107 = tpu.memref_squeeze %dma_wait3A_106 : memref<1x16xf32, #tpu.memory_space<hbm>> -> memref<16xf32, #tpu.memory_space<hbm>>
      %dma_wait3A_108 = arith.constant 0 : i32
      %dma_wait3A_109 = tpu.memref_slice %arg3[%add3A, %dma_wait3A_108] : memref<32x16xf32, #tpu.memory_space<hbm>> -> memref<1x16xf32, #tpu.memory_space<hbm>>
      %dma_wait3A_110 = tpu.memref_squeeze %dma_wait3A_109 : memref<1x16xf32, #tpu.memory_space<hbm>> -> memref<16xf32, #tpu.memory_space<hbm>>
      tpu.wait_dma2 semaphore(%run_scoped3A : memref<!tpu.dma_semaphore, #tpu.memory_space<semaphore_mem>>) src(%arg6 : memref<16xf32, #tpu.memory_space<vmem>>) dst(%dma_wait3A_110 : memref<16xf32, #tpu.memory_space<hbm>>)
      tpu.yield
    }) : () -> ()
    return
  }
}

module attributes {stable_mosaic.version = 14 : i64} {
  func.func @_tc_body(%arg0: i32, %arg1: memref<24x32768xf32, #tpu.memory_space<vmem>>, %arg2: memref<24x32768xf32, #tpu.memory_space<vmem>>, %arg3: memref<24x1xf32, #tpu.memory_space<vmem>>, %arg4: memref<24x1xf32, #tpu.memory_space<vmem>>) attributes {dimension_semantics = [#tpu.dimension_semantics<parallel>], iteration_bounds = array<i64: 2>, scalar_prefetch = 0 : i64, scratch_operands = 0 : i64, tpu.core_type = #tpu.core_type<tc>, window_params = [{transform_indices = @transform_0, window_bounds = array<i64: 24, 32768>}, {transform_indices = @transform_1, window_bounds = array<i64: 24, 32768>}, {transform_indices = @transform_2, window_bounds = array<i64: 24, 1>}, {transform_indices = @transform_3, window_bounds = array<i64: 24, 1>}]} {
    %iota3A = tpu.iota {dimensions = array<i32: 1>} : vector<24x32768xi32>
    %ge3A = arith.constant 512 : i32
    %ge3A_0 = vector.broadcast %ge3A : i32 to vector<24x32768xi32>
    %ge3A_1 = arith.cmpi sge, %iota3A, %ge3A_0 : vector<24x32768xi32>
    %get3A = arith.constant 0 : index
    %get3A_2 = arith.constant 0 : index
    %get3A_3 = vector.load %arg1[%get3A, %get3A_2] : memref<24x32768xf32, #tpu.memory_space<vmem>>, vector<24x32768xf32>
    %jit3A = arith.constant 0.000000e+00 : f32
    %broadcast_in_dim3A = vector.broadcast %jit3A : f32 to vector<24x32768xf32>
    %select_n3A = arith.select %ge3A_1, %get3A_3, %broadcast_in_dim3A : vector<24x32768xi1>, vector<24x32768xf32>
    %reduce_sum3A = arith.constant dense<0.000000e+00> : vector<24xf32>
    %reduce_sum3A_4 = vector.multi_reduction <add>, %select_n3A, %reduce_sum3A [1] : vector<24x32768xf32> to vector<24xf32>
    %broadcast_in_dim3A_5 = vector.shape_cast %reduce_sum3A_4 : vector<24xf32> to vector<24x1xf32>
    %mul3A = arith.constant 3.10019859E-5 : f32
    %mul3A_6 = vector.broadcast %mul3A : f32 to vector<24x1xf32>
    %mul3A_7 = arith.mulf %broadcast_in_dim3A_5, %mul3A_6 : vector<24x1xf32>
    %swap3A = arith.constant 0 : index
    %swap3A_8 = arith.constant 0 : index
    %swap3A_9 = vector.load %arg3[%swap3A, %swap3A_8] : memref<24x1xf32, #tpu.memory_space<vmem>>, vector<24x1xf32>
    tpu.vector_store %arg3[%swap3A, %swap3A_8], %mul3A_7 {strides = array<i32>} : memref<24x1xf32, #tpu.memory_space<vmem>>, vector<24x1xf32>,
    %get3A_10 = arith.constant 0 : index
    %get3A_11 = arith.constant 0 : index
    %get3A_12 = vector.load %arg2[%get3A_10, %get3A_11] : memref<24x32768xf32, #tpu.memory_space<vmem>>, vector<24x32768xf32>
    %jit3A_13 = arith.constant 0.000000e+00 : f32
    %broadcast_in_dim3A_14 = vector.broadcast %jit3A_13 : f32 to vector<24x32768xf32>
    %select_n3A_15 = arith.select %ge3A_1, %get3A_12, %broadcast_in_dim3A_14 : vector<24x32768xi1>, vector<24x32768xf32>
    %reduce_sum3A_16 = arith.constant dense<0.000000e+00> : vector<24xf32>
    %reduce_sum3A_17 = vector.multi_reduction <add>, %select_n3A_15, %reduce_sum3A_16 [1] : vector<24x32768xf32> to vector<24xf32>
    %broadcast_in_dim3A_18 = vector.shape_cast %reduce_sum3A_17 : vector<24xf32> to vector<24x1xf32>
    %mul3A_19 = arith.constant 3.10019859E-5 : f32
    %mul3A_20 = vector.broadcast %mul3A_19 : f32 to vector<24x1xf32>
    %mul3A_21 = arith.mulf %broadcast_in_dim3A_18, %mul3A_20 : vector<24x1xf32>
    %swap3A_22 = arith.constant 0 : index
    %swap3A_23 = arith.constant 0 : index
    %swap3A_24 = vector.load %arg4[%swap3A_22, %swap3A_23] : memref<24x1xf32, #tpu.memory_space<vmem>>, vector<24x1xf32>
    tpu.vector_store %arg4[%swap3A_22, %swap3A_23], %mul3A_21 {strides = array<i32>} : memref<24x1xf32, #tpu.memory_space<vmem>>, vector<24x1xf32>,
    return
  }
  func.func @transform_0(%arg0: i32) -> (i32, i32) {
    %add3A = arith.constant 0 : i32
    %add3A_0 = arith.addi %arg0, %add3A : i32
    %c0_i32 = arith.constant 0 : i32
    %c0_i32_1 = arith.constant 0 : i32
    return %add3A_0, %c0_i32 : i32, i32
  }
  func.func @transform_1(%arg0: i32) -> (i32, i32) {
    %add3A = arith.constant 2 : i32
    %add3A_0 = arith.addi %arg0, %add3A : i32
    %c0_i32 = arith.constant 0 : i32
    %c0_i32_1 = arith.constant 0 : i32
    return %add3A_0, %c0_i32 : i32, i32
  }
  func.func @transform_2(%arg0: i32) -> (i32, i32) {
    %add3A = arith.constant 0 : i32
    %add3A_0 = arith.addi %arg0, %add3A : i32
    %c0_i32 = arith.constant 0 : i32
    %c0_i32_1 = arith.constant 0 : i32
    return %add3A_0, %c0_i32 : i32, i32
  }
  func.func @transform_3(%arg0: i32) -> (i32, i32) {
    %add3A = arith.constant 2 : i32
    %add3A_0 = arith.addi %arg0, %add3A : i32
    %c0_i32 = arith.constant 0 : i32
    %c0_i32_1 = arith.constant 0 : i32
    return %add3A_0, %c0_i32 : i32, i32
  }
}

</mosaic_0001>

<sc_bundles>
// kernel: kernel.4.cloned.1.call-start
scs
__scs_entry_jumppad:
0x0: {  	(pc) =	sbr.rel $0x88, $3  }
0x1: {  	(tag) =	ssettag $0x0;
	lr =	simm.s32 $0x1  }
0x2: {  	[smem:$0x3FA0] =	sst lr;
	_ =	strace $0xD0000000  }
0x3: {  	_ = 	snop  }
0x4: {  	_ = 	snop  }
0x5: {  	_ = 	snop  }
0x6: {  	_ = 	snop  }
0x7: {  	_ = 	snop  }
__scs_overlays_trampoline_lowered:
0x8: {  	[smem:$0x3FAF] =	sst s0  }
0x9: {  	[smem:$0x3FB0] =	sst s1  }
0xa: {  	[smem:$0x3FB1] =	sst s2  }
0xb: {  	[smem:$0x3FB2] =	sst s3  }
0xc: {  	[smem:$0x3FB3] =	sst s4  }
0xd: {  	[smem:$0x3FB4] =	sst s5  }
0xe: {  	[smem:$0x3FB5] =	sst s6  }
0xf: {  	[smem:$0x3FB6] =	sst s7  }
0x10: {  	[smem:$0x3FB7] =	sst s8  }
0x11: {  	[smem:$0x3FB8] =	sst s9;
	s0 =	simm.s32 @!p0 $0x0  }
0x12: {  	s1 =	sld [smem:$0x3F9E];
	s0 =	simm.s32 @p0 $0x1  }
0x13: {  	[smem:$0x3FB9] =	sst s0;
	s0 =	simm.s32 @!p1 $0x0  }
0x14: {  	s2 =	sld [smem:$0x3F9D];
	s0 =	simm.s32 @p1 $0x1  }
0x15: {  	[smem:$0x3FBA] =	sst s0;
	s0 =	simm.s32 @!p2 $0x0  }
0x16: {  	s3 =	sld [smem:$0x3FDB];
	s0 =	simm.s32 @p2 $0x1  }
0x17: {  	s4 =	simm.s32 $0x1BF5;
	[smem:$0x3FBC] =	sst s0  }
0x18: {  	s0 =	sld [smem:$0x3F9F];
	_ =	swait.ge [sflag:s4], $0x0  }
0x19: {  	s7 =	sld [smem:$0x3FA0]  }
0x1a: {  	s8 =	sadd.s32 $0xFFFFE003, lr  }
0x1b: {  	s9 =	sadd.s32 $0xFFFFFEF7, lr;
	s5 =	simm.s32 $0xFFFFFFFF;
	p2 =	slt.u32 s8, $0xFFFFF086  }
0x1c: {  	p1 =	slt.u32 s9, $0xF7A;
	s5 =	simm.s32 @!p2 $0x0  }
0x1d: {  	s5 =	simm.s32 @p1 $0x1;
	p0 =	seq.s32 s7, s2  }
0x1e: {  	s7 =	smul.u32 @!p0 $0xF7A, s2;
	p2 =	seq.s32 @!p0 s5, $0x0  }
0x1f: {  	s9 =	smul.u32 $0xF7A, s1;
	s8 =	simm.s32 @!p0 $0x1BF5;
	p2 =	por !p2, p0  }
0x20: {  	[sflag:s8] =	ssyncset.s32 @!p0 $0xFFFFF086;
	s6 =	sadd.s32 @!p0 s3, s7;
	s7 =	simm.s32 @!p0 $0x108  }
0x21: {  	s3 =	sadd.s32 s3, s9;
	s6 =	sadd.s32 @!p0 $0x88, s6;
	s7 =	simm.s32 @p2 $0x1082  }
0x22: {  	[simem:s7], [sflag:s8] =	dma.local @!p0 [hbm:s6], $0xF7A  }
0x23: {  	s9 =	sor.u32 $0xD0000000, s2;
	s6 =	simm.s32 $0x108;
	_ =	swait.ge @!p0 [sflag:s8], $0x0  }
0x24: {  	s3 =	sadd.s32 $0x88, s3;
	s6 =	simm.s32 @!p1 $0x1082;
	[sflag:s4] =	ssyncset.s32 $0xFFFFF086  }
0x25: {  	[simem:s6], [sflag:s4] =	dma.local [hbm:s3], $0xF7A  }
0x26: {  	[smem:$0x3FA0] =	sst s1;
	(tag) =	ssettag s2;
	_ =	strace s9  }
0x27: {  	s1 =	sld [smem:$0x3FB0]  }
0x28: {  	s2 =	sld [smem:$0x3FB1]  }
0x29: {  	s4 =	sld [smem:$0x3FB3]  }
0x2a: {  	p0 =	seq.s32 s5, $0x0;
	s5 =	sld [smem:$0x3FB4]  }
0x2b: {  	s6 =	sld [smem:$0x3FB5]  }
0x2c: {  	s7 =	sld [smem:$0x3FB6]  }
0x2d: {  	s3 =	simm.s32 $0x108;
	s8 =	sld [smem:$0x3FB7]  }
0x2e: {  	s3 =	simm.s32 @!p0 $0x1082;
	s9 =	sld [smem:$0x3FB8]  }
0x2f: {  	lr =	sadd.s32 s0, s3;
	s0 =	sld [smem:$0x3FAF]  }
0x30: {  	s3 =	sld [smem:$0x3FB2]  }
0x31: {  	[smem:$0x3FBB] =	sst s10  }
0x32: {  	s10 =	sld [smem:$0x3FB9];
	_ =	sdelay $0x3  }
0x33: {  	p0 =	seq.s32 s10, $0x1;
	s10 =	sld [smem:$0x3FBB];
	_ =	sdelay $0x3  }
0x34: {  	[smem:$0x3FBB] =	sst s10  }
0x35: {  	s10 =	sld [smem:$0x3FBA];
	_ =	sdelay $0x3  }
0x36: {  	p1 =	seq.s32 s10, $0x1;
	s10 =	sld [smem:$0x3FBB];
	_ =	sdelay $0x3  }
0x37: {  	[smem:$0x3FBB] =	sst s10  }
0x38: {  	s10 =	sld [smem:$0x3FBC]  }
0x39: {  	_ = 	snop;
	(pc) =	sbr.ind lr, $3  }
0x3a: {  	_ = 	snop  }
0x3b: {  	_ = 	snop  }
0x3c: {  	p2 =	seq.s32 s10, $0x1;
	s10 =	sld [smem:$0x3FBB]  }
0x3d: {  	_ =	shalt  }
0x3e: {  	_ =	shalt  }
0x3f: {  	_ =	shalt  }
0x40: {  	_ =	shalt  }
0x41: {  	_ =	shalt  }
0x42: {  	_ =	shalt  }
0x43: {  	_ =	shalt  }
0x44: {  	_ =	shalt  }
0x45: {  	_ =	shalt  }
0x46: {  	_ =	shalt  }
0x47: {  	_ =	shalt  }
0x48: {  	_ =	shalt  }
0x49: {  	_ =	shalt  }
0x4a: {  	_ =	shalt  }
0x4b: {  	_ =	shalt  }
0x4c: {  	_ =	shalt  }
0x4d: {  	_ =	shalt  }
0x4e: {  	_ =	shalt  }
0x4f: {  	_ =	shalt  }
0x50: {  	_ =	shalt  }
0x51: {  	_ =	shalt  }
0x52: {  	_ =	shalt  }
0x53: {  	_ =	shalt  }
0x54: {  	_ =	shalt  }
0x55: {  	_ =	shalt  }
0x56: {  	_ =	shalt  }
0x57: {  	_ =	shalt  }
0x58: {  	_ =	shalt  }
0x59: {  	_ =	shalt  }
0x5a: {  	_ =	shalt  }
0x5b: {  	_ =	shalt  }
0x5c: {  	_ =	shalt  }
0x5d: {  	_ =	shalt  }
0x5e: {  	_ =	shalt  }
0x5f: {  	_ =	shalt  }
0x60: {  	_ =	shalt  }
0x61: {  	_ =	shalt  }
0x62: {  	_ =	shalt  }
0x63: {  	_ =	shalt  }
0x64: {  	_ =	shalt  }
0x65: {  	_ =	shalt  }
0x66: {  	_ =	shalt  }
0x67: {  	_ =	shalt  }
0x68: {  	_ =	shalt  }
0x69: {  	_ =	shalt  }
0x6a: {  	_ =	shalt  }
0x6b: {  	_ =	shalt  }
0x6c: {  	_ =	shalt  }
0x6d: {  	_ =	shalt  }
0x6e: {  	_ =	shalt  }
0x6f: {  	_ =	shalt  }
0x70: {  	_ =	shalt  }
0x71: {  	_ =	shalt  }
0x72: {  	_ =	shalt  }
0x73: {  	_ =	shalt  }
0x74: {  	_ =	shalt  }
0x75: {  	_ =	shalt  }
0x76: {  	_ =	shalt  }
0x77: {  	_ =	shalt  }
0x78: {  	_ =	shalt  }
0x79: {  	_ =	shalt  }
0x7a: {  	_ =	shalt  }
0x7b: {  	_ =	shalt  }
0x7c: {  	_ =	shalt  }
0x7d: {  	_ =	shalt  }
0x7e: {  	_ =	shalt  }
0x7f: {  	_ =	shalt  }
0x80: {  	_ =	shalt  }
0x81: {  	_ =	shalt  }
0x82: {  	_ =	shalt  }
0x83: {  	_ =	shalt  }
0x84: {  	_ =	shalt  }
0x85: {  	_ =	shalt  }
0x86: {  	_ =	shalt  }
0x87: {  	_ =	shalt  }
.Lfunc_end0:
.L_simem_size_0:
called_computation_lowered:
.L_overlay_start_0:
0x88: {  	s2 =	sld [smem:$0x3FD9]  }
0x89: {  	s3 =	sld [smem:$0x3FFE];
	_ =	sdelay $0x1  }
0x8a: {  	s1 =	srdreg.scid  }
0x8b: {  	s0 =	sand.u32 $0x1, s1  }
0x8c: {  	s17 =	sshll.u32 s0, $0xA;
	s2 =	sadd.s32 s3, s2  }
0x8d: {  	s2 =	sadd.s32 s2, s17  }
0x8e: {  	[smem:$0x3FC7] =	sst s2  }
0x8f: {  	_ = 	snop  }
0x90: {  	s2 =	sld [smem:$0x3FC9];
	(tm) =	ssettm $0x1  }
0x91: {  	s18 =	sld [smem:$0x3FFB];
	_ =	sdelay $0x3  }
0x92: {  	_ =	strace s18  }
0x93: {  	s3 =	sld [smem:$0x3FFC];
	_ =	sdelay $0x3  }
0x94: {  	_ =	strace s3  }
0x95: {  	s3 =	sld [smem:$0x3FFD];
	_ =	sdelay $0x3  }
0x96: {  	_ =	strace s3  }
0x97: {  	_ =	strace $0x8FFFFFFF  }
0x98: {  	s19 =	sld [smem:$0x3FDB];
	_ =	sdelay $0x1  }
0x99: {  	s4 =	simm.s32 $_scs_section_size  }
0x9a: {  	s5 =	simm.s32 $_size__tile_overlayer_lowered;
	s6 =	simm.s32 $_tile_overlayer_lowered  }
0x9b: {  	s22 =	simm.s32 $0x1BFF;
	s21 =	sshll.u32 s6, $0x1;
	s3 =	sadd.s32 s4, s19  }
0x9c: {  	s7 =	simm.s32 $0x0;
	s20 =	sshll.u32 s5, $0x1;
	s5 =	sadd.s32 s21, s3  }
0x9d: {  	[timem:s7], [sflag:s22] =	dma.local [hbm:s5], s20  }
0x9e: {  	_ =	swait.ge [sflag:s22], s20  }
0x9f: {  	s4 =	ssub.s32 $0x0, s20;
	[sflag:s22] =	ssyncset.done $0x0  }
0xa0: {  	[sflag:s22] =	ssyncadd.s32 s4;
	_ =	sdelay $0x1  }
0xa1: {  	s23 =	simm.s32 $0x1B8B  }
0xa2: {  	_ =	swait.ge [sflag:s23], $0x1  }
0xa3: {  	[sflag:s23] =	ssyncset.done $0x0  }
0xa4: {  	s25 =	simm.s32 $0x1B8E;
	s24 =	sld [smem:$0x3FFE];
	[sflag:s23] =	ssyncadd.s32 $0xFFFFFFFF  }
0xa5: {  	s26 =	simm.s32 $execute0_lowered;
	[smem:$0x3FD2] =	sst s25  }
0xa6: {  	s5 =	sshll.u32 s26, $0x1;
	_ =	strace $0x80000046;
	[dreg:$0x1] =	wrdreg $0xFFFFFFFF  }
0xa7: {  	s28 =	simm.s32 $_size_execute0_lowered;
	s3 =	sadd.s32 s3, s5;
	[dreg:$0x0] =	wrdreg $0x0  }
0xa8: {  	s5 =	sshll.u32 s28, $0x1;
	[dreg:$0x2] =	wrdreg s3  }
0xa9: {  	[dreg:$0x3] =	wrdreg s5  }
0xaa: {  	[dreg:$0x4] =	wrdreg $0xC0  }
0xab: {  	_ =	task [dreg:s7], $0x5FFFF  }
0xac: {  	[dreg:$0x1] =	wrdreg $0xFFFFFFFF  }
0xad: {  	[dreg:$0x0] =	wrdreg $0x60  }
0xae: {  	[dreg:$0x2] =	wrdreg s2  }
0xaf: {  	[dreg:$0x3] =	wrdreg s24  }
0xb0: {  	[dreg:$0x4] =	wrdreg $0x9  }
0xb1: {  	_ =	task.clear_ibuf [dreg:s7], $0x5FFFF;
	_ =	strace $0x90000046  }
0xb2: {  	s29 =	simm.s32 $0x9;
	_ =	strace $0x80000048  }
0xb3: {  	_ =	swait.ge [sflag:s29], $0x1  }
0xb4: {  	[sflag:s29] =	ssyncadd.s32 $0xFFFFFFFF  }
0xb5: {  	_ =	strace $0x90000048  }
0xb6: {  	_ =	sfence  }
0xb7: {  	s30 =	sld [smem:$0x0];
	_ =	sdelay $0x2  }
0xb8: {  	s31 =	sshll.u32 s1, $0xD;
	s1 =	sshrl.u32 s1, $0x2  }
0xb9: {  	s3 =	sand.u32 $0x4000, s31;
	s1 =	sadd.s32 s1, s30  }
0xba: {  	s0 =	sor.u32 s3, s0;
	s1 =	sshll.u32 s1, $0x11  }
0xbb: {  	s0 =	sor.u32 s1, s0  }
0xbc: {  	s0 =	sadd.s32 $0x8F2B, s0  }
0xbd: {  	[sflag:s0] =	ssyncadd.remote.s32 $0x1  }
0xbe: {  	_ =	sfence.sel $0xFFFF  }
0xbf: {  	[dreg:$0x0] =	wrdreg $0xFFFFFFFF;
	(pc) =	sbr.abs _section_cstart, $3  }
0xc0: {  	[dreg:$0x1] =	wrdreg $0xFFFFFFFF  }
0xc1: {  	_ =	task.clear_ibuf [dreg:s7], $0x2FFFF;
	_ =	strace $0x9FFFFFFF  }
0xc2: {  	(tm) =	ssettm $0x7FFFFFFF  }
0xc3: {  	_ =	shalt  }
tec
execute0_lowered:
.L_overlay_start_1:
0x0: {  	(tag) =	ssettag $0x1  }
0x1: {  	s3 =	rddreg [dreg:$0x0]  }
0x2: {  	s4 =	rddreg [dreg:$0x1]  }
0x3: {  	s0 =	rddreg [dreg:$0x2];
	s2 =	simm.s32 $0x0  }
0x4: {  	v0 =	vimm.s32 $0xEFCDAB89;
	s5 =	srdreg.scid;
	s1 =	stileid.u32;
	v1 =	vimm.s32 $0x67452301;
	s10 =	simm.s32 $0x1  }
0x5: {  	v2 =	vimm.s32 $0xDCFE98BA;
	v3 =	vimm.s32 $0x54761032;
	s11 =	simm.s32 $0x2;
	s12 =	simm.s32 $0x7E00;
	s13 =	simm.s32 $0x3  }
0x6: {  	v4 =	vimm.s32 $0xBA98FEDC;
	v5 =	vimm.s32 $0xFEDCBA98;
	s14 =	simm.s32 $0x0;
	[smem:$0x7FF] =	sst s2;
	s5 =	sand.u32 $0x1, s5  }
0x7: {  	v6 =	vimm.s32 $0x32107654;
	v7 =	vimm.s32 $0x76543210;
	v0 =	vunpack.c.l.s4.s8 v0;
	s6 =	sshll.u32 s1, $0x8;
	s9 =	sshll.u32 s1, $0x10;
	_ =	strace $0x80000047  }
0x8: {  	v1 =	vunpack.c.l.s4.s8 v1;
	v2 =	vunpack.c.l.s4.s8 v2;
	v3 =	vunpack.c.l.s4.s8 v3;
	s7 =	sshll.u32 s5, $0x7;
	s8 =	sand.u32 $0x300, s6;
	s6 =	sand.u32 $0xC00, s6  }
0x9: {  	v5 =	vunpack.c.l.s4.s8 v5;
	v4 =	vunpack.c.l.s4.s8 v4;
	v6 =	vunpack.c.l.s4.s8 v6;
	s29 =	sand.u32 $0xC0000, s9;
	s5 =	ssub.s32 $0x2, s5;
	s7 =	sor.u32 s7, s8  }
0xa: {  	v7 =	vunpack.c.l.s4.s8 v7;
	s9 =	simm.s32 $0x3F00;
	v0 =	vunpack.c.0.s8.s32 v0;
	v1 =	vunpack.c.0.s8.s32 v1;
	s6 =	sor.u32 s6, s7;
	s7 =	sor.u32 s29, s7  }
0xb: {  	s30 =	sshrl.u32 s5, $0x1;
	v2 =	vunpack.c.0.s8.s32 v2;
	v3 =	vunpack.c.0.s8.s32 v3;
	v5 =	vunpack.c.0.s8.s32 v5;
	s6 =	sshrl.u32 s6, $0x3;
	s7 =	sshrl.u32 s7, $0x3  }
0xc: {  	v4 =	vunpack.c.0.s8.s32 v4;
	v6 =	vunpack.c.0.s8.s32 v6;
	v7 =	vunpack.c.0.s8.s32 v7;
	s8 =	ssub.s32 s5, s30;
	s6 =	sadd.s32 s6, s4;
	s31 =	sadd.s32 s7, s3  }
0xd: {  	v0 =	vcombine.low v1, v0;
	v1 =	vcombine.low v3, v2;
	v3 =	vand.u32 $0xF, v5;
	s7 =	simm.s32 $0x80;
	s3 =	sadd.s32 $0x60200, s31;
	s4 =	sadd.s32 $0x64100, s31  }
0xe: {  	v2 =	vcombine.low v6, v4;
	v3 =	vcombine.low v3, v7;
	s5 =	sadd.s32 $0x800, s6;
	s6 =	smax.u32 s8, $0x1;
	s8 =	simm.s32 $0x400  }
.LBB2_1:
0xf: {  	[tilespmem:s2], [sflag:$0x1] =	stream.strided.gather [hbm4b:s3+s7], $0x3F00, s8, s7, $0x38;
	[tilespmem:$0x7E80] =	vst v63  }
0x10: {  	_ = 	snop  }
0x11: {  	[tilespmem:s9], [sflag:$0x2] =	stream.strided.gather [hbm4b:s4+s7], $0x3F00, s8, s7, $0x38;
	[tilespmem:$0x7E80] =	vst v63  }
0x12: {  	_ =	swait.ge [sflag:s10], $0x3F00  }
0x13: {  	[sflag:s10] =	ssyncset.done $0x0  }
0x14: {  	s16 =	simm.s32 $0x20;
	[sflag:s10] =	ssyncadd.s32 $0xFFFFC100  }
0x15: {  	v4 =	vld [tilespmem:s16+$0x0];
	_ =	sdelay $0x1  }
0x16: {  	v6 =	vld [tilespmem:s16+$0xFFFFFFE0]  }
0x17: {  	v8 =	vld [tilespmem:s16+$0xFFFFFFF0]  }
0x18: {  	v5 =	vimm.f32 $0.0e+00;
	v10 =	vld [tilespmem:s16+$0x10]  }
0x19: {  	s15 =	simm.s32 $0x0;
	v11 =	vimm.f32 $0.0e+00;
	v12 =	vimm.f32 $0.0e+00;
	s16 =	simm.s32 $0x60;
	v4 =	vadd.f32 v4, v5  }
.LBB2_2:
0x1a: {  	s15 =	sadd.s32 $0x40, s15  }
0x1b: {  	v7 =	vld [tilespmem:s16+$0x0];
	v5 =	vadd.f32 v6, v5;
	p0 =	slt.u32 s15, $0x3EC0  }
.Ltmp0:
0x1c: {  	v6 =	vld [tilespmem:s16+$0xFFFFFFE0];
	v11 =	vadd.f32 v8, v11;
	(pc) =	sbr.rel @p0 .LBB2_2-.Ltmp0, $3  }
0x1d: {  	v8 =	vld [tilespmem:s16+$0xFFFFFFF0];
	v12 =	vadd.f32 v10, v12  }
0x1e: {  	v10 =	vld [tilespmem:s16+$0x10];
	_ =	sdelay $0x1  }
0x1f: {  	s16 =	sadd.s32 $0x40, s16;
	v4 =	vadd.f32 v7, v4  }
0x20: {  	_ =	swait.ge [sflag:s11], $0x3F00  }
0x21: {  	[sflag:s11] =	ssyncset.done $0x0  }
0x22: {  	s16 =	simm.s32 $0x3F20;
	[sflag:s11] =	ssyncadd.s32 $0xFFFFC100  }
0x23: {  	v13 =	vld [tilespmem:s16+$0x0];
	_ =	sdelay $0x1  }
0x24: {  	v9 =	vld [tilespmem:s16+$0xFFFFFFE0]  }
0x25: {  	v7 =	vadd.f32 v6, v5;
	v5 =	vadd.f32 v10, v12;
	v12 =	vld [tilespmem:s16+$0xFFFFFFF0]  }
0x26: {  	v8 =	vadd.f32 v8, v11;
	v10 =	vimm.f32 $0.0e+00;
	v11 =	vld [tilespmem:s16+$0x10]  }
0x27: {  	s15 =	simm.s32 $0x0;
	v14 =	vimm.f32 $0.0e+00;
	s16 =	simm.s32 $0x3F60;
	v6 =	vadd.f32 v13, v10;
	v13 =	vimm.f32 $0.0e+00  }
.LBB2_4:
0x28: {  	s15 =	sadd.s32 $0x40, s15  }
0x29: {  	v15 =	vld [tilespmem:s16+$0x0];
	v10 =	vadd.f32 v9, v10;
	p0 =	slt.u32 s15, $0x3EC0  }
.Ltmp1:
0x2a: {  	v9 =	vld [tilespmem:s16+$0xFFFFFFE0];
	v14 =	vadd.f32 v12, v14;
	(pc) =	sbr.rel @p0 .LBB2_4-.Ltmp1, $3  }
0x2b: {  	v12 =	vld [tilespmem:s16+$0xFFFFFFF0];
	v13 =	vadd.f32 v11, v13  }
0x2c: {  	v11 =	vld [tilespmem:s16+$0x10];
	_ =	sdelay $0x1  }
0x2d: {  	s16 =	sadd.s32 $0x40, s16;
	v6 =	vadd.f32 v15, v6  }
0x2e: {  	v7 =	vadd.f32 $0.0e+00, v7;
	_ =	sdelay $0x1  }
0x2f: {  	v7 =	vadd.f32 v8, v7;
	_ =	sdelay $0x1  }
0x30: {  	v4 =	vadd.f32 v4, v7;
	_ =	sdelay $0x1  }
0x31: {  	v63 =	vadd.f32 v9, v10;
	v4 =	vadd.f32 v5, v4;
	_ =	sdelay $0x1  }
0x32: {  	v5 =	vadd.f32 v12, v14;
	v4 =	vadd.f32 v63, v4;
	_ =	sdelay $0x1  }
0x33: {  	v4 =	vadd.f32 v5, v4;
	_ =	sdelay $0x1  }
0x34: {  	v5 =	vadd.f32 v11, v13;
	v4 =	vadd.f32 v6, v4;
	_ =	sdelay $0x1  }
0x35: {  	v4 =	vadd.f32 v5, v4;
	_ =	sdelay $0x1  }
0x36: {  	v5 =	vperm.xlane v4, v0;
	_ =	sdelay $0x1  }
0x37: {  	v4 =	vadd.f32 v5, v4;
	_ =	sdelay $0x1  }
0x38: {  	v5 =	vperm.xlane v4, v1;
	_ =	sdelay $0x1  }
0x39: {  	v4 =	vadd.f32 v5, v4;
	_ =	sdelay $0x1  }
0x3a: {  	v5 =	vperm.xlane v4, v2;
	_ =	sdelay $0x1  }
0x3b: {  	v4 =	vadd.f32 v5, v4;
	_ =	sdelay $0x1  }
0x3c: {  	v5 =	vperm.xlane v4, v3;
	_ =	sdelay $0x1  }
0x3d: {  	v4 =	vadd.f32 v5, v4;
	_ =	sdelay $0x1  }
0x3e: {  	s14 =	sadd.s32 $0x1, s14;
	v4 =	vmul.f32 $3.100198590e-05, v4  }
0x3f: {  	p0 =	sne.s32 s14, s6  }
.Ltmp2:
0x40: {  	[tilespmem:$0x7E00] =	vst v4;
	(pc) =	sbr.rel @p0 .LBB2_1-.Ltmp2, $4  }
0x41: {  	[hbm4b:s5+s2] =	stream.linear.scatter [tilespmem:s12], [sflag:$0x3], $0x80, $0x38;
	[tilespmem:$0x7E80] =	vst v63  }
0x42: {  	_ =	swait.ge [sflag:s13], $0x80  }
0x43: {  	[sflag:s13] =	ssyncset.done $0x0  }
0x44: {  	[sflag:s13] =	ssyncadd.s32 $0xFFFFFF80  }
0x45: {  	_ =	sfence.sel $0x180000  }
0x46: {  	[bflag:$0x0] =	sbarrier.arrive $0xFFFF  }
0x47: {  	p0 =	sne.s32 s1, $0x0;
	_ =	strace $0x90000047  }
0x48: {  	s0 =	sadd.s32 @!p0 $0x100000, s0;
	[bflag:$0x2] =	sbarrier.arrive $0xFFFF  }
0x49: {  	[sflag:s0] =	ssyncadd.tile.s32 @!p0 $0x1;
	_ =	shalt  }
.Lfunc_end2:
_tile_overlayer_lowered:
.L_overlay_start_2:
0x4a: {  	(tag) =	ssettag $0x2  }
0x4b: {  	s0 =	rddreg [dreg:$0x0];
	s2 =	stileid.u32  }
0x4c: {  	s1 =	rddreg [dreg:$0x1];
	p0 =	sne.s32 s2, $0x0  }
0x4d: {  	s3 =	rddreg [dreg:$0x2];
	[bflag:$0x3] =	sbarrier.arrive $0xFFFF;
	s2 =	simm.s32 @!p0 $0x1C03  }
0x4e: {  	[timem:s3], [sflag:s2] =	dma.local @!p0 [hbm:s0], s1  }
0x4f: {  	s0 =	simm.s32 @!p0 $0x3  }
0x50: {  	_ =	swait.ge @!p0 [sflag:s0], s1  }
0x51: {  	s1 =	ssub.s32 @!p0 $0x0, s1;
	[sflag:s0] =	ssyncset.done @!p0 $0x0  }
0x52: {  	[sflag:s0] =	ssyncadd.s32 @!p0 s1  }
0x53: {  	[bflag:$0x3] =	sbarrier.arrive $0xFFFF  }
0x54: {  	_ =	shalt  }

</sc_bundles>
